<compile_context>
chip_gen: v7x
topology: tpu7x:2x2x1
jax: 0.10.2.dev20260603
libtpu: 0.0.44.dev20260713+nightly
codegen_flags: <defaults>
</compile_context>

<pallas_src>
import functools

import jax
import jax.numpy as jnp
from jax import lax
from jax.experimental import pallas as pl
from jax.experimental.pallas import tpu as pltpu
from jax.experimental.pallas import tpu_sc as plsc

_EMB_DIM = 32
_NUM_EMB = 8192
_TOK_BLK = 128
_CB_BLK = 512
_N_CB = _NUM_EMB // _CB_BLK
_NC = 2
_NS = 16
_NW = _NC * _NS


def _vq_body(z_ref, z2_ref, cb_ref, idx_ref, min_ref):
    j = pl.program_id(1)
    zt = z_ref[...]
    z2t = z2_ref[...]
    cbt = cb_ref[...]
    s = lax.dot_general(zt.astype(jnp.bfloat16), cbt.astype(jnp.bfloat16),
                        (((1,), (1,)), ((), ())),
                        preferred_element_type=jnp.float32)
    cb2 = jnp.sum(cbt * cbt, axis=1)
    d = (z2t + cb2[None, :]) - 2.0 * s
    lidx = jnp.argmin(d, axis=1)[:, None] + j * _CB_BLK
    lmin = jnp.min(d, axis=1, keepdims=True)
    prev_min = jnp.where(j == 0, jnp.inf, min_ref[...])
    prev_idx = jnp.where(j == 0, 0, idx_ref[...])
    better = lmin < prev_min
    min_ref[...] = jnp.where(better, lmin, prev_min)
    idx_ref[...] = jnp.where(better, lidx, prev_idx)


def _vq_argmin(zflat, z2, cb):
    n_tok = zflat.shape[0]
    grid = (n_tok // _TOK_BLK, _N_CB)
    idx = pl.pallas_call(
        _vq_body,
        grid=grid,
        in_specs=[
            pl.BlockSpec((_TOK_BLK, _EMB_DIM), lambda i, j: (i, 0)),
            pl.BlockSpec((_TOK_BLK, 1), lambda i, j: (i, 0)),
            pl.BlockSpec((_CB_BLK, _EMB_DIM), lambda i, j: (j, 0)),
        ],
        out_specs=pl.BlockSpec((_TOK_BLK, 1), lambda i, j: (i, 0)),
        out_shape=jax.ShapeDtypeStruct((n_tok, 1), jnp.int32),
        scratch_shapes=[pltpu.VMEM((_TOK_BLK, 1), jnp.float32)],
        compiler_params=pltpu.CompilerParams(
            dimension_semantics=("parallel", "arbitrary")),
    )(zflat, z2, cb)
    return idx[:, 0]


def _make_sc_gather(B, b_per_w):
    mesh = plsc.VectorSubcoreMesh(core_axis_name="c", subcore_axis_name="s")

    @functools.partial(
        pl.kernel, mesh=mesh,
        compiler_params=pltpu.CompilerParams(use_tc_tiling_on_sc=False),
        out_type=jax.ShapeDtypeStruct((B, _EMB_DIM), jnp.float32),
        scratch_types=[
            pltpu.VMEM((b_per_w,), jnp.int32),
            pltpu.VMEM((b_per_w, _EMB_DIM), jnp.float32),
            pltpu.SemaphoreType.DMA,
        ],
    )
    def k(table_hbm, idx_hbm, out_hbm, idx_v, rows_v, sem):
        wid = lax.axis_index("s") * _NC + lax.axis_index("c")
        base = wid * b_per_w
        pltpu.sync_copy(idx_hbm.at[pl.ds(base, b_per_w)], idx_v)
        pltpu.async_copy(table_hbm.at[idx_v], rows_v, sem).wait()
        pltpu.sync_copy(rows_v, out_hbm.at[pl.ds(base, b_per_w)])

    return k


def _sc_gather(cb, idx):
    n = idx.shape[0]
    pad = (-n) % (8 * _NW)
    idxp = jnp.concatenate([idx, jnp.zeros((pad,), jnp.int32)])
    B = n + pad
    out = _make_sc_gather(B, B // _NW)(cb, idxp)
    return out[:n]


def _conv(x, w, b, stride=1, pad=1):
    o = lax.conv_general_dilated(x, w, (stride, stride), [(pad, pad), (pad, pad)],
                                 dimension_numbers=('NCHW', 'OIHW', 'NCHW'))
    return o + b[None, :, None, None]


def _convT(x, w, b, stride=2, pad=1):
    k = w.shape[2]
    wf = jnp.flip(w, axis=(2, 3)).transpose(1, 0, 2, 3)
    p = k - 1 - pad
    o = lax.conv_general_dilated(x, wf, (1, 1), [(p, p), (p, p)],
                                 lhs_dilation=(stride, stride),
                                 dimension_numbers=('NCHW', 'OIHW', 'NCHW'))
    return o + b[None, :, None, None]


def _res(x, p, name):
    h = jax.nn.relu(_conv(x, p[name + '_w1'], p[name + '_b1']))
    h = _conv(h, p[name + '_w2'], p[name + '_b2'])
    return jax.nn.relu(x + h)


def _encode(x, p):
    x = jax.nn.relu(_conv(x, p['e_d0_w'], p['e_d0_b'], stride=2, pad=1))
    x = _res(x, p, 'e_s0_r0'); x = _res(x, p, 'e_s0_r1')
    x = jax.nn.relu(_conv(x, p['e_d1_w'], p['e_d1_b'], stride=2, pad=1))
    x = _res(x, p, 'e_s1_r0'); x = _res(x, p, 'e_s1_r1')
    return _conv(x, p['e_out_w'], p['e_out_b'])


def _decode(x, p):
    x = _conv(x, p['d_in_w'], p['d_in_b'])
    x = _res(x, p, 'd_s0_r0'); x = _res(x, p, 'd_s0_r1')
    x = jax.nn.relu(_convT(x, p['d_u0_w'], p['d_u0_b']))
    x = _res(x, p, 'd_s1_r0'); x = _res(x, p, 'd_s1_r1')
    return _convT(x, p['d_u1_w'], p['d_u1_b'])


def _quantize_pallas(args):
    flat, z2, cb = args
    idx = _vq_argmin(flat, z2, cb)
    return _sc_gather(cb, idx)


def _quantize_never(args):
    flat, _, _ = args
    return jnp.zeros_like(flat)


def kernel(x, params):
    z = _encode(x, params)
    cb = params['codebook']
    B, C, H, W = z.shape
    flat = z.transpose(0, 2, 3, 1).reshape(-1, C)
    z2 = (flat ** 2).sum(1, keepdims=True)
    pred = jnp.sum(x) > -1e30
    qflat = lax.cond(pred, _quantize_pallas, _quantize_never, (flat, z2, cb))
    q = qflat.reshape(B, H, W, C).transpose(0, 3, 1, 2)
    loss = 0.25 * jnp.mean((lax.stop_gradient(q) - z) ** 2)
    q_st = z + lax.stop_gradient(q - z)
    recon = _decode(q_st, params)
    return recon, loss

# --- scband reference (transcript-rebuilt; emitter-appended) ---
"""Pipeline reference for scband-vqvae-25520695673028 (READ-ONLY COPY).

The authoritative reference and input builder live on the scoring server;
editing this copy changes nothing except your own understanding.
"""

import jax, jax.numpy as jnp
import numpy as np
from jax import lax

EMB_DIM = 32
NUM_EMB = 8192


def _conv(x, w, b, stride=1, pad=1):
    o = lax.conv_general_dilated(x, w, (stride, stride), [(pad, pad), (pad, pad)],
                                 dimension_numbers=('NCHW', 'OIHW', 'NCHW'))
    return o + b[None, :, None, None]


def _convT(x, w, b, stride=2, pad=1):
    # PyTorch ConvTranspose2d semantics: weight layout (in, out, kh, kw)
    k = w.shape[2]
    wf = jnp.flip(w, axis=(2, 3)).transpose(1, 0, 2, 3)
    p = k - 1 - pad
    o = lax.conv_general_dilated(x, wf, (1, 1), [(p, p), (p, p)],
                                 lhs_dilation=(stride, stride),
                                 dimension_numbers=('NCHW', 'OIHW', 'NCHW'))
    return o + b[None, :, None, None]


def _res(x, p, name):
    # VQVAEResidualUnit: relu(x + conv2(relu(conv1(x))))  (dropout=0)
    h = jax.nn.relu(_conv(x, p[name + '_w1'], p[name + '_b1']))
    h = _conv(h, p[name + '_w2'], p[name + '_b2'])
    return jax.nn.relu(x + h)


def _encode(x, p):
    x = jax.nn.relu(_conv(x, p['e_d0_w'], p['e_d0_b'], stride=2, pad=1))
    x = _res(x, p, 'e_s0_r0'); x = _res(x, p, 'e_s0_r1')
    x = jax.nn.relu(_conv(x, p['e_d1_w'], p['e_d1_b'], stride=2, pad=1))
    x = _res(x, p, 'e_s1_r0'); x = _res(x, p, 'e_s1_r1')
    return _conv(x, p['e_out_w'], p['e_out_b'])


def _quantize(z, cb):
    # EMAQuantizer forward (eval mode; EMA buffers untouched)
    B, C, H, W = z.shape
    flat = z.transpose(0, 2, 3, 1).reshape(-1, C)
    d = (flat ** 2).sum(1, keepdims=True) + (cb ** 2).sum(1)[None, :] - 2.0 * (flat @ cb.T)
    idx = jnp.argmin(d, axis=1)
    q = jnp.take(cb, idx, axis=0).reshape(B, H, W, C).transpose(0, 3, 1, 2)
    loss = 0.25 * jnp.mean((lax.stop_gradient(q) - z) ** 2)
    q_st = z + lax.stop_gradient(q - z)  # straight-through
    return q_st, loss, idx.reshape(B, H, W)


def _decode(x, p):
    x = _conv(x, p['d_in_w'], p['d_in_b'])
    x = _res(x, p, 'd_s0_r0'); x = _res(x, p, 'd_s0_r1')
    x = jax.nn.relu(_convT(x, p['d_u0_w'], p['d_u0_b']))
    x = _res(x, p, 'd_s1_r0'); x = _res(x, p, 'd_s1_r1')
    return _convT(x, p['d_u1_w'], p['d_u1_b'])


def _make_params(key):
    ks = iter(jax.random.split(key, 64))
    def w(shape):
        return jax.random.normal(next(ks), shape, jnp.float32) * 0.05
    def b(n):
        return jnp.zeros((n,), jnp.float32)
    p = {}
    p['e_d0_w'] = w((96, 3, 4, 4)); p['e_d0_b'] = b(96)
    for r in ['e_s0_r0', 'e_s0_r1']:
        p[r + '_w1'] = w((96, 96, 3, 3)); p[r + '_b1'] = b(96)
        p[r + '_w2'] = w((96, 96, 3, 3)); p[r + '_b2'] = b(96)
    p['e_d1_w'] = w((192, 96, 4, 4)); p['e_d1_b'] = b(192)
    for r in ['e_s1_r0', 'e_s1_r1']:
        p[r + '_w1'] = w((192, 192, 3, 3)); p[r + '_b1'] = b(192)
        p[r + '_w2'] = w((192, 192, 3, 3)); p[r + '_b2'] = b(192)
    p['e_out_w'] = w((EMB_DIM, 192, 3, 3)); p['e_out_b'] = b(EMB_DIM)
    p['codebook'] = jax.random.normal(next(ks), (NUM_EMB, EMB_DIM), jnp.float32)
    p['d_in_w'] = w((192, EMB_DIM, 3, 3)); p['d_in_b'] = b(192)
    for r in ['d_s0_r0', 'd_s0_r1']:
        p[r + '_w1'] = w((192, 192, 3, 3)); p[r + '_b1'] = b(192)
        p[r + '_w2'] = w((192, 192, 3, 3)); p[r + '_b2'] = b(192)
    p['d_u0_w'] = w((192, 96, 4, 4)); p['d_u0_b'] = b(96)
    for r in ['d_s1_r0', 'd_s1_r1']:
        p[r + '_w1'] = w((96, 96, 3, 3)); p[r + '_b1'] = b(96)
        p[r + '_w2'] = w((96, 96, 3, 3)); p[r + '_b2'] = b(96)
    p['d_u1_w'] = w((96, 3, 4, 4)); p['d_u1_b'] = b(3)
    return p


def setup_inputs(seed: int = 0):
    key = jax.random.key(seed)
    k1, k2 = jax.random.split(key)
    x = jax.random.normal(k1, (2, 3, 224, 224), jnp.float32)
    params = _make_params(k2)
    return {'x': x, 'params': params}


def reference(x, params):
    z = _encode(x, params)
    q, loss, _idx = _quantize(z, params['codebook'])
    recon = _decode(q, params)
    return recon, loss

if __name__ == "__main__":
    import jax
    _d = setup_inputs()
    print(jax.jit(kernel)(*tuple(_d.values())))

</pallas_src>

<mosaic_0001>
#map = affine_map<(d0, d1) -> (0, 0)>
#map1 = affine_map<(d0, d1) -> (0)>
module attributes {stable_mosaic.version = 14 : i64} {
  func.func @k(%arg0: i32, %arg1: i32, %arg2: memref<8192x32xf32, #tpu.memory_space<hbm>>, %arg3: memref<6400xi32, #tpu.memory_space<hbm>>, %arg4: memref<6400x32xf32, #tpu.memory_space<hbm>>, %arg5: memref<200xi32, #tpu.memory_space<vmem>>, %arg6: memref<200x32xf32, #tpu.memory_space<vmem>>, %arg7: memref<!tpu.dma_semaphore, #tpu.memory_space<semaphore_mem>>) attributes {dimension_semantics = [#tpu.dimension_semantics<core_parallel>, #tpu.dimension_semantics<subcore_parallel>], iteration_bounds = array<i64: 2, 16>, scalar_prefetch = 0 : i64, scratch_operands = 3 : i64, tpu.core_type = #tpu.core_type<sc_vector_subcore>, window_params = [{transform_indices = #map}, {transform_indices = #map1}, {transform_indices = #map}]} {
    %mul3A = arith.constant 2 : i32
    %mul3A_0 = arith.muli %arg1, %mul3A : i32
    %add3A = arith.addi %mul3A_0, %arg0 : i32
    %mul3A_1 = arith.constant 200 : i32
    %mul3A_2 = arith.muli %add3A, %mul3A_1 : i32
    "tpu.region"() ({
      %run_scoped3A = tpu.sem_alloc : memref<!tpu.dma_semaphore, #tpu.memory_space<semaphore_mem>>
      %dma_start3A_7 = tpu.memref_slice %arg3[%mul3A_2] : memref<6400xi32, #tpu.memory_space<hbm>> -> memref<200xi32, #tpu.memory_space<hbm>>
      %dma_start3A_8 = tpu.memref_slice %arg3[%mul3A_2] : memref<6400xi32, #tpu.memory_space<hbm>> -> memref<200xi32, #tpu.memory_space<hbm>>
      tpu.enqueue_dma source(%dma_start3A_8 : memref<200xi32, #tpu.memory_space<hbm>>) target(%arg5 : memref<200xi32, #tpu.memory_space<vmem>>) target_semaphore(%run_scoped3A : memref<!tpu.dma_semaphore, #tpu.memory_space<semaphore_mem>>)
      %dma_wait3A_9 = tpu.memref_slice %arg3[%mul3A_2] : memref<6400xi32, #tpu.memory_space<hbm>> -> memref<200xi32, #tpu.memory_space<hbm>>
      %dma_wait3A_10 = tpu.memref_slice %arg3[%mul3A_2] : memref<6400xi32, #tpu.memory_space<hbm>> -> memref<200xi32, #tpu.memory_space<hbm>>
      tpu.wait_dma2 semaphore(%run_scoped3A : memref<!tpu.dma_semaphore, #tpu.memory_space<semaphore_mem>>) src(%dma_wait3A_10 : memref<200xi32, #tpu.memory_space<hbm>>) dst(%arg5 : memref<200xi32, #tpu.memory_space<vmem>>)
      tpu.yield
    }) : () -> ()
    %dma_start3A = arith.constant 0 : i32
    %dma_start3A_3 = arith.constant 0 : i32
    %dma_start3A_4 = tpu.memref_slice %arg2[%dma_start3A, %dma_start3A_3] : memref<8192x32xf32, #tpu.memory_space<hbm>> -> memref<8192x32xf32, #tpu.memory_space<hbm>>
    tpu.enqueue_indirect_dma source(%dma_start3A_4 : memref<8192x32xf32, #tpu.memory_space<hbm>>) target(%arg6 : memref<200x32xf32, #tpu.memory_space<vmem>>) offsets(%arg5 : memref<200xi32, #tpu.memory_space<vmem>>) semaphore(%arg7 : memref<!tpu.dma_semaphore, #tpu.memory_space<semaphore_mem>>)
    %dma_wait3A = arith.constant 0 : i32
    %dma_wait3A_5 = arith.constant 0 : i32
    %dma_wait3A_6 = tpu.memref_slice %arg2[%dma_wait3A, %dma_wait3A_5] : memref<8192x32xf32, #tpu.memory_space<hbm>> -> memref<8192x32xf32, #tpu.memory_space<hbm>>
    tpu.wait_indirect_dma semaphore(%arg7 : memref<!tpu.dma_semaphore, #tpu.memory_space<semaphore_mem>>) src(%dma_wait3A_6 : memref<8192x32xf32, #tpu.memory_space<hbm>>) dst(%arg6 : memref<200x32xf32, #tpu.memory_space<vmem>>)
    "tpu.region"() ({
      %run_scoped3A = tpu.sem_alloc : memref<!tpu.dma_semaphore, #tpu.memory_space<semaphore_mem>>
      %dma_start3A_7 = arith.constant 0 : i32
      %dma_start3A_8 = tpu.memref_slice %arg4[%mul3A_2, %dma_start3A_7] : memref<6400x32xf32, #tpu.memory_space<hbm>> -> memref<200x32xf32, #tpu.memory_space<hbm>>
      %dma_start3A_9 = arith.constant 0 : i32
      %dma_start3A_10 = tpu.memref_slice %arg4[%mul3A_2, %dma_start3A_9] : memref<6400x32xf32, #tpu.memory_space<hbm>> -> memref<200x32xf32, #tpu.memory_space<hbm>>
      tpu.enqueue_dma source(%arg6 : memref<200x32xf32, #tpu.memory_space<vmem>>) target(%dma_start3A_10 : memref<200x32xf32, #tpu.memory_space<hbm>>) target_semaphore(%run_scoped3A : memref<!tpu.dma_semaphore, #tpu.memory_space<semaphore_mem>>)
      %dma_wait3A_11 = arith.constant 0 : i32
      %dma_wait3A_12 = tpu.memref_slice %arg4[%mul3A_2, %dma_wait3A_11] : memref<6400x32xf32, #tpu.memory_space<hbm>> -> memref<200x32xf32, #tpu.memory_space<hbm>>
      %dma_wait3A_13 = arith.constant 0 : i32
      %dma_wait3A_14 = tpu.memref_slice %arg4[%mul3A_2, %dma_wait3A_13] : memref<6400x32xf32, #tpu.memory_space<hbm>> -> memref<200x32xf32, #tpu.memory_space<hbm>>
      tpu.wait_dma2 semaphore(%run_scoped3A : memref<!tpu.dma_semaphore, #tpu.memory_space<semaphore_mem>>) src(%arg6 : memref<200x32xf32, #tpu.memory_space<vmem>>) dst(%dma_wait3A_14 : memref<200x32xf32, #tpu.memory_space<hbm>>)
      tpu.yield
    }) : () -> ()
    return
  }
}

module attributes {stable_mosaic.version = 14 : i64} {
  func.func @_vq_body(%arg0: i32, %arg1: i32, %arg2: memref<128x32xf32, #tpu.memory_space<vmem>>, %arg3: memref<128x1xf32, #tpu.memory_space<vmem>>, %arg4: memref<512x32xf32, #tpu.memory_space<vmem>>, %arg5: memref<128x1xi32, #tpu.memory_space<vmem>>, %arg6: memref<128x1xf32, #tpu.memory_space<vmem>>) attributes {dimension_semantics = [#tpu.dimension_semantics<parallel>, #tpu.dimension_semantics<arbitrary>], iteration_bounds = array<i64: 49, 16>, scalar_prefetch = 0 : i64, scratch_operands = 1 : i64, tpu.core_type = #tpu.core_type<tc>, window_params = [{transform_indices = @transform_0, window_bounds = array<i64: 128, 32>}, {transform_indices = @transform_1, window_bounds = array<i64: 128, 1>}, {transform_indices = @transform_2, window_bounds = array<i64: 512, 32>}, {transform_indices = @transform_3, window_bounds = array<i64: 128, 1>}]} {
    %get3A = arith.constant 0 : index
    %get3A_0 = arith.constant 0 : index
    %get3A_1 = vector.load %arg2[%get3A, %get3A_0] : memref<128x32xf32, #tpu.memory_space<vmem>>, vector<128x32xf32>
    %get3A_2 = arith.constant 0 : index
    %get3A_3 = arith.constant 0 : index
    %get3A_4 = vector.load %arg3[%get3A_2, %get3A_3] : memref<128x1xf32, #tpu.memory_space<vmem>>, vector<128x1xf32>
    %get3A_5 = arith.constant 0 : index
    %get3A_6 = arith.constant 0 : index
    %get3A_7 = vector.load %arg4[%get3A_5, %get3A_6] : memref<512x32xf32, #tpu.memory_space<vmem>>, vector<512x32xf32>
    %convert_element_type3A = arith.truncf %get3A_1 : vector<128x32xf32> to vector<128x32xbf16>
    %convert_element_type3A_8 = arith.truncf %get3A_7 : vector<512x32xf32> to vector<512x32xbf16>
    %dot_general3A = arith.constant dense<0.000000e+00> : vector<128x512xf32>
    %dot_general3A_9 = tpu.matmul %convert_element_type3A, %convert_element_type3A_8, %dot_general3A {dimension_numbers = #tpu.dot_dimension_numbers<[1], [1], [0], [0], [0, 0, 1, 0], [], []>, transpose_lhs_hint = false} : vector<128x32xbf16>, vector<512x32xbf16>, vector<128x512xf32> -> vector<128x512xf32>
    %mul3A = arith.mulf %get3A_7, %get3A_7 : vector<512x32xf32>
    %reduce_sum3A = arith.constant dense<0.000000e+00> : vector<512xf32>
    %reduce_sum3A_10 = vector.multi_reduction <add>, %mul3A, %reduce_sum3A [1] : vector<512x32xf32> to vector<512xf32>
    %broadcast_in_dim3A = vector.shape_cast %reduce_sum3A_10 : vector<512xf32> to vector<1x512xf32>
    %add3A = vector.broadcast %get3A_4 : vector<128x1xf32> to vector<128x512xf32>
    %add3A_11 = vector.broadcast %broadcast_in_dim3A : vector<1x512xf32> to vector<128x512xf32>
    %add3A_12 = arith.addf %add3A, %add3A_11 : vector<128x512xf32>
    %mul3A_13 = arith.constant 2.000000e+00 : f32
    %mul3A_14 = vector.broadcast %mul3A_13 : f32 to vector<128x512xf32>
    %mul3A_15 = arith.mulf %mul3A_14, %dot_general3A_9 : vector<128x512xf32>
    %sub3A = arith.subf %add3A_12, %mul3A_15 : vector<128x512xf32>
    %argmin3A = tpu.reduce_index %sub3A {axis = 1 : i32, kind = #tpu.reduction_kind<arg_min>} : vector<128x512xf32> -> vector<128xi32>
    %broadcast_in_dim3A_16 = vector.shape_cast %argmin3A : vector<128xi32> to vector<128x1xi32>
    %mul3A_17 = arith.constant 512 : i32
    %mul3A_18 = arith.muli %arg1, %mul3A_17 : i32
    %add3A_19 = vector.broadcast %mul3A_18 : i32 to vector<128x1xi32>
    %add3A_20 = arith.addi %broadcast_in_dim3A_16, %add3A_19 : vector<128x1xi32>
    %reduce_min3A = arith.constant dense<0x7F800000> : vector<128xf32>
    %reduce_min3A_21 = vector.multi_reduction <minimumf>, %sub3A, %reduce_min3A [1] : vector<128x512xf32> to vector<128xf32>
    %broadcast_in_dim3A_22 = vector.shape_cast %reduce_min3A_21 : vector<128xf32> to vector<128x1xf32>
    %eq3A = arith.constant 0 : i32
    %eq3A_23 = arith.cmpi eq, %arg1, %eq3A : i32
    %get3A_24 = arith.constant 0 : index
    %get3A_25 = arith.constant 0 : index
    %get3A_26 = vector.load %arg6[%get3A_24, %get3A_25] : memref<128x1xf32, #tpu.memory_space<vmem>>, vector<128x1xf32>
    %jit3A = arith.constant 0x7F800000 : f32
    %broadcast_in_dim3A_27 = vector.broadcast %jit3A : f32 to vector<128x1xf32>
    %select_n3A = arith.select %eq3A_23, %broadcast_in_dim3A_27, %get3A_26 : vector<128x1xf32>
    %eq3A_28 = arith.constant 0 : i32
    %eq3A_29 = arith.cmpi eq, %arg1, %eq3A_28 : i32
    %get3A_30 = arith.constant 0 : index
    %get3A_31 = arith.constant 0 : index
    %get3A_32 = vector.load %arg5[%get3A_30, %get3A_31] : memref<128x1xi32, #tpu.memory_space<vmem>>, vector<128x1xi32>
    %jit3A_33 = arith.constant 0 : i32
    %broadcast_in_dim3A_34 = vector.broadcast %jit3A_33 : i32 to vector<128x1xi32>
    %select_n3A_35 = arith.select %eq3A_29, %broadcast_in_dim3A_34, %get3A_32 : vector<128x1xi32>
    %lt3A = arith.cmpf olt, %broadcast_in_dim3A_22, %select_n3A : vector<128x1xf32>
    %select_n3A_36 = arith.select %lt3A, %broadcast_in_dim3A_22, %select_n3A : vector<128x1xi1>, vector<128x1xf32>
    %swap3A = arith.constant 0 : index
    %swap3A_37 = arith.constant 0 : index
    %swap3A_38 = vector.load %arg6[%swap3A, %swap3A_37] : memref<128x1xf32, #tpu.memory_space<vmem>>, vector<128x1xf32>
    tpu.vector_store %arg6[%swap3A, %swap3A_37], %select_n3A_36 {strides = array<i32>} : memref<128x1xf32, #tpu.memory_space<vmem>>, vector<128x1xf32>,
    %select_n3A_39 = arith.select %lt3A, %add3A_20, %select_n3A_35 : vector<128x1xi1>, vector<128x1xi32>
    %swap3A_40 = arith.constant 0 : index
    %swap3A_41 = arith.constant 0 : index
    %swap3A_42 = vector.load %arg5[%swap3A_40, %swap3A_41] : memref<128x1xi32, #tpu.memory_space<vmem>>, vector<128x1xi32>
    tpu.vector_store %arg5[%swap3A_40, %swap3A_41], %select_n3A_39 {strides = array<i32>} : memref<128x1xi32, #tpu.memory_space<vmem>>, vector<128x1xi32>,
    return
  }
  func.func @transform_0(%arg0: i32, %arg1: i32) -> (i32, i32) {
    %c0_i32 = arith.constant 0 : i32
    %c0_i32_0 = arith.constant 0 : i32
    return %arg0, %c0_i32 : i32, i32
  }
  func.func @transform_1(%arg0: i32, %arg1: i32) -> (i32, i32) {
    %c0_i32 = arith.constant 0 : i32
    %c0_i32_0 = arith.constant 0 : i32
    return %arg0, %c0_i32 : i32, i32
  }
  func.func @transform_2(%arg0: i32, %arg1: i32) -> (i32, i32) {
    %c0_i32 = arith.constant 0 : i32
    %c0_i32_0 = arith.constant 0 : i32
    return %arg1, %c0_i32 : i32, i32
  }
  func.func @transform_3(%arg0: i32, %arg1: i32) -> (i32, i32) {
    %c0_i32 = arith.constant 0 : i32
    %c0_i32_0 = arith.constant 0 : i32
    return %arg0, %c0_i32 : i32, i32
  }
}

</mosaic_0001>

<sc_bundles>
// kernel: branch_1_fun.4.cloned.1.call-start
scs
__scs_entry_jumppad:
0x0: {  	(pc) =	sbr.rel $0x88, $3  }
0x1: {  	(tag) =	ssettag $0x0;
	lr =	simm.s32 $0x1  }
0x2: {  	[smem:$0x3F73] =	sst lr;
	_ =	strace $0xD0000000  }
0x3: {  	_ = 	snop  }
0x4: {  	_ = 	snop  }
0x5: {  	_ = 	snop  }
0x6: {  	_ = 	snop  }
0x7: {  	_ = 	snop  }
__scs_overlays_trampoline_lowered:
0x8: {  	[smem:$0x3F82] =	sst s0  }
0x9: {  	[smem:$0x3F83] =	sst s1  }
0xa: {  	[smem:$0x3F84] =	sst s2  }
0xb: {  	[smem:$0x3F85] =	sst s3  }
0xc: {  	[smem:$0x3F86] =	sst s4  }
0xd: {  	[smem:$0x3F87] =	sst s5  }
0xe: {  	[smem:$0x3F88] =	sst s6  }
0xf: {  	[smem:$0x3F89] =	sst s7  }
0x10: {  	[smem:$0x3F8A] =	sst s8  }
0x11: {  	[smem:$0x3F8B] =	sst s9;
	s0 =	simm.s32 @!p0 $0x0  }
0x12: {  	s1 =	sld [smem:$0x3F71];
	s0 =	simm.s32 @p0 $0x1  }
0x13: {  	[smem:$0x3F8C] =	sst s0;
	s0 =	simm.s32 @!p1 $0x0  }
0x14: {  	s2 =	sld [smem:$0x3F70];
	s0 =	simm.s32 @p1 $0x1  }
0x15: {  	[smem:$0x3F8D] =	sst s0;
	s0 =	simm.s32 @!p2 $0x0  }
0x16: {  	s3 =	sld [smem:$0x3FDB];
	s0 =	simm.s32 @p2 $0x1  }
0x17: {  	s4 =	simm.s32 $0x1BF5;
	[smem:$0x3F8F] =	sst s0  }
0x18: {  	s0 =	sld [smem:$0x3F72];
	_ =	swait.ge [sflag:s4], $0x0  }
0x19: {  	s7 =	sld [smem:$0x3F73]  }
0x1a: {  	s8 =	sadd.s32 $0xFFFFE003, lr  }
0x1b: {  	s9 =	sadd.s32 $0xFFFFFEF7, lr;
	s5 =	simm.s32 $0xFFFFFFFF;
	p2 =	slt.u32 s8, $0xFFFFF086  }
0x1c: {  	p1 =	slt.u32 s9, $0xF7A;
	s5 =	simm.s32 @!p2 $0x0  }
0x1d: {  	s5 =	simm.s32 @p1 $0x1;
	p0 =	seq.s32 s7, s2  }
0x1e: {  	s7 =	smul.u32 @!p0 $0xF7A, s2;
	p2 =	seq.s32 @!p0 s5, $0x0  }
0x1f: {  	s9 =	smul.u32 $0xF7A, s1;
	s8 =	simm.s32 @!p0 $0x1BF5;
	p2 =	por !p2, p0  }
0x20: {  	[sflag:s8] =	ssyncset.s32 @!p0 $0xFFFFF086;
	s6 =	sadd.s32 @!p0 s3, s7;
	s7 =	simm.s32 @!p0 $0x108  }
0x21: {  	s3 =	sadd.s32 s3, s9;
	s6 =	sadd.s32 @!p0 $0x88, s6;
	s7 =	simm.s32 @p2 $0x1082  }
0x22: {  	[simem:s7], [sflag:s8] =	dma.local @!p0 [hbm:s6], $0xF7A  }
0x23: {  	s9 =	sor.u32 $0xD0000000, s2;
	s6 =	simm.s32 $0x108;
	_ =	swait.ge @!p0 [sflag:s8], $0x0  }
0x24: {  	s3 =	sadd.s32 $0x88, s3;
	s6 =	simm.s32 @!p1 $0x1082;
	[sflag:s4] =	ssyncset.s32 $0xFFFFF086  }
0x25: {  	[simem:s6], [sflag:s4] =	dma.local [hbm:s3], $0xF7A  }
0x26: {  	[smem:$0x3F73] =	sst s1;
	(tag) =	ssettag s2;
	_ =	strace s9  }
0x27: {  	s1 =	sld [smem:$0x3F83]  }
0x28: {  	s2 =	sld [smem:$0x3F84]  }
0x29: {  	s4 =	sld [smem:$0x3F86]  }
0x2a: {  	p0 =	seq.s32 s5, $0x0;
	s5 =	sld [smem:$0x3F87]  }
0x2b: {  	s6 =	sld [smem:$0x3F88]  }
0x2c: {  	s7 =	sld [smem:$0x3F89]  }
0x2d: {  	s3 =	simm.s32 $0x108;
	s8 =	sld [smem:$0x3F8A]  }
0x2e: {  	s3 =	simm.s32 @!p0 $0x1082;
	s9 =	sld [smem:$0x3F8B]  }
0x2f: {  	lr =	sadd.s32 s0, s3;
	s0 =	sld [smem:$0x3F82]  }
0x30: {  	s3 =	sld [smem:$0x3F85]  }
0x31: {  	[smem:$0x3F8E] =	sst s10  }
0x32: {  	s10 =	sld [smem:$0x3F8C];
	_ =	sdelay $0x3  }
0x33: {  	p0 =	seq.s32 s10, $0x1;
	s10 =	sld [smem:$0x3F8E];
	_ =	sdelay $0x3  }
0x34: {  	[smem:$0x3F8E] =	sst s10  }
0x35: {  	s10 =	sld [smem:$0x3F8D];
	_ =	sdelay $0x3  }
0x36: {  	p1 =	seq.s32 s10, $0x1;
	s10 =	sld [smem:$0x3F8E];
	_ =	sdelay $0x3  }
0x37: {  	[smem:$0x3F8E] =	sst s10  }
0x38: {  	s10 =	sld [smem:$0x3F8F]  }
0x39: {  	_ = 	snop;
	(pc) =	sbr.ind lr, $3  }
0x3a: {  	_ = 	snop  }
0x3b: {  	_ = 	snop  }
0x3c: {  	p2 =	seq.s32 s10, $0x1;
	s10 =	sld [smem:$0x3F8E]  }
0x3d: {  	_ =	shalt  }
0x3e: {  	_ =	shalt  }
0x3f: {  	_ =	shalt  }
0x40: {  	_ =	shalt  }
0x41: {  	_ =	shalt  }
0x42: {  	_ =	shalt  }
0x43: {  	_ =	shalt  }
0x44: {  	_ =	shalt  }
0x45: {  	_ =	shalt  }
0x46: {  	_ =	shalt  }
0x47: {  	_ =	shalt  }
0x48: {  	_ =	shalt  }
0x49: {  	_ =	shalt  }
0x4a: {  	_ =	shalt  }
0x4b: {  	_ =	shalt  }
0x4c: {  	_ =	shalt  }
0x4d: {  	_ =	shalt  }
0x4e: {  	_ =	shalt  }
0x4f: {  	_ =	shalt  }
0x50: {  	_ =	shalt  }
0x51: {  	_ =	shalt  }
0x52: {  	_ =	shalt  }
0x53: {  	_ =	shalt  }
0x54: {  	_ =	shalt  }
0x55: {  	_ =	shalt  }
0x56: {  	_ =	shalt  }
0x57: {  	_ =	shalt  }
0x58: {  	_ =	shalt  }
0x59: {  	_ =	shalt  }
0x5a: {  	_ =	shalt  }
0x5b: {  	_ =	shalt  }
0x5c: {  	_ =	shalt  }
0x5d: {  	_ =	shalt  }
0x5e: {  	_ =	shalt  }
0x5f: {  	_ =	shalt  }
0x60: {  	_ =	shalt  }
0x61: {  	_ =	shalt  }
0x62: {  	_ =	shalt  }
0x63: {  	_ =	shalt  }
0x64: {  	_ =	shalt  }
0x65: {  	_ =	shalt  }
0x66: {  	_ =	shalt  }
0x67: {  	_ =	shalt  }
0x68: {  	_ =	shalt  }
0x69: {  	_ =	shalt  }
0x6a: {  	_ =	shalt  }
0x6b: {  	_ =	shalt  }
0x6c: {  	_ =	shalt  }
0x6d: {  	_ =	shalt  }
0x6e: {  	_ =	shalt  }
0x6f: {  	_ =	shalt  }
0x70: {  	_ =	shalt  }
0x71: {  	_ =	shalt  }
0x72: {  	_ =	shalt  }
0x73: {  	_ =	shalt  }
0x74: {  	_ =	shalt  }
0x75: {  	_ =	shalt  }
0x76: {  	_ =	shalt  }
0x77: {  	_ =	shalt  }
0x78: {  	_ =	shalt  }
0x79: {  	_ =	shalt  }
0x7a: {  	_ =	shalt  }
0x7b: {  	_ =	shalt  }
0x7c: {  	_ =	shalt  }
0x7d: {  	_ =	shalt  }
0x7e: {  	_ =	shalt  }
0x7f: {  	_ =	shalt  }
0x80: {  	_ =	shalt  }
0x81: {  	_ =	shalt  }
0x82: {  	_ =	shalt  }
0x83: {  	_ =	shalt  }
0x84: {  	_ =	shalt  }
0x85: {  	_ =	shalt  }
0x86: {  	_ =	shalt  }
0x87: {  	_ =	shalt  }
.Lfunc_end0:
.L_simem_size_0:
called_computation_lowered:
.L_overlay_start_0:
0x88: {  	s2 =	sld [smem:$0x3FD9]  }
0x89: {  	s3 =	sld [smem:$0x3FFE];
	_ =	sdelay $0x1  }
0x8a: {  	s1 =	srdreg.scid  }
0x8b: {  	s0 =	sand.u32 $0x1, s1  }
0x8c: {  	s14 =	sshll.u32 s0, $0xA;
	s2 =	sadd.s32 s3, s2  }
0x8d: {  	s2 =	sadd.s32 s2, s14  }
0x8e: {  	[smem:$0x3F9A] =	sst s2  }
0x8f: {  	_ = 	snop  }
0x90: {  	s2 =	sld [smem:$0x3FD0];
	_ =	sdelay $0x2  }
0x91: {  	s15 =	simm.s32 $0xA;
	s4 =	simm.s32 $0x10  }
0x92: {  	[smem:s4], [sflag:s15] =	dma.local [hbm:s2], $0x1  }
0x93: {  	_ =	swait.eq [sflag:s15], $0x1  }
0x94: {  	[sflag:s15] =	ssyncset.done $0x0  }
0x95: {  	[sflag:s15] =	ssyncadd.s32 $0xFFFFFFFF  }
0x96: {  	s16 =	sld [smem:$0x10];
	(tm) =	ssettm $0x1  }
0x97: {  	s17 =	sld [smem:$0x3FFB];
	_ =	sdelay $0x3  }
0x98: {  	_ =	strace s17  }
0x99: {  	s3 =	sld [smem:$0x3FFC];
	_ =	sdelay $0x3  }
0x9a: {  	_ =	strace s3  }
0x9b: {  	s3 =	sld [smem:$0x3FFD];
	_ =	sdelay $0x3  }
0x9c: {  	_ =	strace s3  }
0x9d: {  	_ =	strace $0x8FFFFFFF  }
0x9e: {  	s18 =	sld [smem:$0x3FDB];
	_ =	sdelay $0x1  }
0x9f: {  	s19 =	simm.s32 $_scs_section_size  }
0xa0: {  	s5 =	simm.s32 $_size__tile_overlayer_lowered;
	s6 =	simm.s32 $_tile_overlayer_lowered  }
0xa1: {  	s22 =	simm.s32 $0x1BFF;
	s21 =	sshll.u32 s6, $0x1;
	s3 =	sadd.s32 s19, s18  }
0xa2: {  	s7 =	simm.s32 $0x0;
	s20 =	sshll.u32 s5, $0x1;
	s5 =	sadd.s32 s21, s3  }
0xa3: {  	[timem:s7], [sflag:s22] =	dma.local [hbm:s5], s20  }
0xa4: {  	_ =	swait.ge [sflag:s22], s20  }
0xa5: {  	s4 =	ssub.s32 $0x0, s20;
	[sflag:s22] =	ssyncset.done $0x0  }
0xa6: {  	[sflag:s22] =	ssyncadd.s32 s4;
	_ =	sdelay $0x1  }
0xa7: {  	s23 =	simm.s32 $0x1B8B  }
0xa8: {  	_ =	swait.ge [sflag:s23], $0x1  }
0xa9: {  	[sflag:s23] =	ssyncset.done $0x0  }
0xaa: {  	s25 =	simm.s32 $0x1B8E;
	s24 =	sld [smem:$0x3FFE];
	[sflag:s23] =	ssyncadd.s32 $0xFFFFFFFF  }
0xab: {  	s26 =	simm.s32 $execute0_lowered;
	[smem:$0x3FD2] =	sst s25  }
0xac: {  	s5 =	sshll.u32 s26, $0x1;
	_ =	strace $0x80000046;
	[dreg:$0x1] =	wrdreg $0xFFFFFFFF  }
0xad: {  	s28 =	simm.s32 $_size_execute0_lowered;
	s3 =	sadd.s32 s3, s5;
	[dreg:$0x0] =	wrdreg $0x0  }
0xae: {  	s5 =	sshll.u32 s28, $0x1;
	[dreg:$0x2] =	wrdreg s3  }
0xaf: {  	[dreg:$0x3] =	wrdreg s5  }
0xb0: {  	[dreg:$0x4] =	wrdreg $0xC0  }
0xb1: {  	_ =	task [dreg:s7], $0x5FFFF  }
0xb2: {  	[dreg:$0x1] =	wrdreg $0xFFFFFFFF  }
0xb3: {  	[dreg:$0x0] =	wrdreg $0x60  }
0xb4: {  	[dreg:$0x2] =	wrdreg s16  }
0xb5: {  	[dreg:$0x3] =	wrdreg s24  }
0xb6: {  	[dreg:$0x4] =	wrdreg $0x9  }
0xb7: {  	_ =	task.clear_ibuf [dreg:s7], $0x5FFFF;
	_ =	strace $0x90000046  }
0xb8: {  	s29 =	simm.s32 $0x9;
	_ =	strace $0x80000048  }
0xb9: {  	_ =	swait.ge [sflag:s29], $0x1  }
0xba: {  	[sflag:s29] =	ssyncadd.s32 $0xFFFFFFFF  }
0xbb: {  	_ =	strace $0x90000048  }
0xbc: {  	_ =	sfence  }
0xbd: {  	s30 =	sld [smem:$0x0];
	_ =	sdelay $0x2  }
0xbe: {  	s31 =	sshll.u32 s1, $0xD;
	s1 =	sshrl.u32 s1, $0x2  }
0xbf: {  	s3 =	sand.u32 $0x4000, s31;
	s1 =	sadd.s32 s1, s30  }
0xc0: {  	s0 =	sor.u32 s3, s0;
	s1 =	sshll.u32 s1, $0x11  }
0xc1: {  	s0 =	sor.u32 s1, s0  }
0xc2: {  	s0 =	sadd.s32 $0x8F2B, s0  }
0xc3: {  	[sflag:s0] =	ssyncadd.remote.s32 $0x1  }
0xc4: {  	_ =	sfence.sel $0xFFFF  }
0xc5: {  	[dreg:$0x0] =	wrdreg $0xFFFFFFFF;
	(pc) =	sbr.abs _section_cstart, $3  }
0xc6: {  	[dreg:$0x1] =	wrdreg $0xFFFFFFFF  }
0xc7: {  	_ =	task.clear_ibuf [dreg:s7], $0x2FFFF;
	_ =	strace $0x9FFFFFFF  }
0xc8: {  	(tm) =	ssettm $0x7FFFFFFF  }
0xc9: {  	_ =	shalt  }
tec
execute0_lowered:
.L_overlay_start_1:
0x0: {  	(tag) =	ssettag $0x1  }
0x1: {  	s1 =	srdreg.scid;
	s0 =	stileid.u32  }
0x2: {  	s2 =	rddreg [dreg:$0x0];
	s6 =	sand.u32 $0x1, s1;
	s30 =	sshll.u32 s0, $0x1  }
0x3: {  	s8 =	rddreg [dreg:$0x1];
	s7 =	sor.u32 s6, s30  }
0x4: {  	s3 =	simm.s32 $0x0;
	s1 =	rddreg [dreg:$0x2];
	s4 =	smul.u32 $0x19, s7  }
0x5: {  	[smem:$0x7FF] =	sst s3  }
0x6: {  	_ =	strace $0x80000047;
	s10 =	ssub.s32 $0x2, s6;
	s4 =	sadd.s32 s4, s8  }
0x7: {  	s6 =	simm.s32 $0xC8;
	s5 =	sadd.s32 $0x9000, s4;
	s4 =	simm.s32 $0x2  }
0x8: {  	[tilespmem:s3], [sflag:$0x2] =	stream.linear.gather [hbm4b:s5+s3], $0xC8, $0x38;
	[tilespmem:$0x19C8] =	vst v63  }
0x9: {  	s9 =	smul.u32 $0x320, s7;
	s11 =	sshrl.u32 s10, $0x1;
	_ =	swait.ge [sflag:s4], $0xC8  }
0xa: {  	s7 =	simm.s32 $0x1;
	s31 =	ssub.s32 s10, s11;
	[sflag:s4] =	ssyncset.done $0x0  }
0xb: {  	s8 =	sadd.s32 s9, s8;
	s9 =	smax.u32 s31, $0x1;
	[sflag:s4] =	ssyncadd.s32 $0xFFFFFF38  }
0xc: {  	[tilespmem:s6], [sflag:$0x1] =	stream.indirect.gather [hbm4b:s2+s6], $0x20, s3, s6, $0xb8;
	[tilespmem:$0x19C8] =	vst v63  }
0xd: {  	p0 =	sne.s32 s9, $0x1;
	_ =	swait.ge [sflag:s7], $0x1900  }
.Ltmp0:
0xe: {  	[sflag:s7] =	ssyncset.done $0x0;
	(pc) =	sbr.rel @!p0 .LBB2_2-.Ltmp0, $4  }
0xf: {  	s8 =	sadd.s32 $0x9400, s8;
	[sflag:s7] =	ssyncadd.s32 $0xFFFFE700  }
0x10: {  	[hbm4b:s8+s3] =	stream.linear.scatter [tilespmem:s6], [sflag:$0x2], $0x1900, $0x38;
	[tilespmem:$0x19C8] =	vst v63  }
0x11: {  	_ =	swait.ge [sflag:s4], $0x1900  }
0x12: {  	s9 =	sadd.s32 $0xFFFFFFFF, s9;
	[sflag:s4] =	ssyncset.done $0x0  }
.LBB2_1:
0x13: {  	p0 =	sne.s32 s9, $0x1;
	s9 =	sadd.s32 $0xFFFFFFFF, s9;
	[sflag:s4] =	ssyncadd.s32 $0xFFFFE700  }
0x14: {  	[tilespmem:s3], [sflag:$0x2] =	stream.linear.gather [hbm4b:s5+s3], $0xC8, $0x38;
	[tilespmem:$0x19C8] =	vst v63  }
0x15: {  	_ =	swait.ge [sflag:s4], $0xC8  }
0x16: {  	[sflag:s4] =	ssyncset.done $0x0  }
0x17: {  	[sflag:s4] =	ssyncadd.s32 $0xFFFFFF38  }
0x18: {  	[tilespmem:s6], [sflag:$0x1] =	stream.indirect.gather [hbm4b:s2+s6], $0x20, s3, s6, $0xb8;
	[tilespmem:$0x19C8] =	vst v63  }
0x19: {  	_ =	swait.ge [sflag:s7], $0x1900  }
.Ltmp1:
0x1a: {  	[sflag:s7] =	ssyncset.done $0x0;
	(pc) =	sbr.rel @p0 .LBB2_1-.Ltmp1, $4  }
0x1b: {  	[sflag:s7] =	ssyncadd.s32 $0xFFFFE700  }
0x1c: {  	[hbm4b:s8+s3] =	stream.linear.scatter [tilespmem:s6], [sflag:$0x2], $0x1900, $0x38;
	[tilespmem:$0x19C8] =	vst v63  }
0x1d: {  	_ =	swait.ge [sflag:s4], $0x1900  }
0x1e: {  	[sflag:s4] =	ssyncset.done $0x0  }
.LBB2_2:
0x1f: {  	[sflag:s4] =	ssyncadd.s32 $0xFFFFE700  }
0x20: {  	_ =	sfence.sel $0x180000  }
0x21: {  	[bflag:$0x0] =	sbarrier.arrive $0xFFFF  }
0x22: {  	p0 =	sne.s32 s0, $0x0;
	_ =	strace $0x90000047  }
0x23: {  	s0 =	sadd.s32 @!p0 $0x100000, s1;
	[bflag:$0x2] =	sbarrier.arrive $0xFFFF  }
0x24: {  	[sflag:s0] =	ssyncadd.tile.s32 @!p0 $0x1;
	_ =	shalt  }
.Lfunc_end2:
_tile_overlayer_lowered:
.L_overlay_start_2:
0x25: {  	(tag) =	ssettag $0x2  }
0x26: {  	s0 =	rddreg [dreg:$0x0];
	s2 =	stileid.u32  }
0x27: {  	s1 =	rddreg [dreg:$0x1];
	p0 =	sne.s32 s2, $0x0  }
0x28: {  	s3 =	rddreg [dreg:$0x2];
	[bflag:$0x3] =	sbarrier.arrive $0xFFFF;
	s2 =	simm.s32 @!p0 $0x1C02  }
0x29: {  	[timem:s3], [sflag:s2] =	dma.local @!p0 [hbm:s0], s1  }
0x2a: {  	s0 =	simm.s32 @!p0 $0x2  }
0x2b: {  	_ =	swait.ge @!p0 [sflag:s0], s1  }
0x2c: {  	s1 =	ssub.s32 @!p0 $0x0, s1;
	[sflag:s0] =	ssyncset.done @!p0 $0x0  }
0x2d: {  	[sflag:s0] =	ssyncadd.s32 @!p0 s1  }
0x2e: {  	[bflag:$0x3] =	sbarrier.arrive $0xFFFF  }
0x2f: {  	_ =	shalt  }

</sc_bundles>
